<compile_context>
chip_gen: v7x
topology: tpu7x:2x2x1
jax: 0.10.2.dev20260603
libtpu: 0.0.44.dev20260713+nightly
codegen_flags: <defaults>
</compile_context>

<pallas_src>
import functools

import jax
import jax.numpy as jnp
from jax import lax
from jax.experimental import pallas as pl
from jax.experimental.pallas import tpu as pltpu
from jax.experimental.pallas import tpu_sc as plsc

_NUM_EMB = 8192
_DIM = 32
_N_TOK = 8192
_TOK_TILE = 2048
_K_TILE = 2048
_N_K_TILES = _NUM_EMB // _K_TILE
_K_CHUNK = 2048
_N_CHUNKS = _NUM_EMB // _K_CHUNK
_TILES_PER_CHUNK = _K_CHUNK // _K_TILE

_NC = 2
_NS = 16
_NW = _NC * _NS
_BPW = _N_TOK // _NW
_GCHUNK = 128


def _argmin_body(zt_ref, zsq_ref, cb_ref, idx_ref):
    zt = zt_ref[...]
    zsq = zsq_ref[...].reshape(_TOK_TILE)
    ztb = zt.astype(jnp.bfloat16)

    def tile_step(k, carry):
        run_val, run_idx = carry
        cbk = cb_ref[pl.ds(k * _K_TILE, _K_TILE), :]
        csq = jnp.sum(cbk * cbk, axis=1)
        mm = lax.dot_general(ztb, cbk, (((1,), (1,)), ((), ())),
                             preferred_element_type=jnp.float32)
        d = (zsq[:, None] + csq[None, :]) - 2.0 * mm
        val = jnp.min(d, axis=1)
        lane = lax.broadcasted_iota(jnp.int32, (_TOK_TILE, _K_TILE), 1) + k * _K_TILE
        idx = jnp.min(jnp.where(d == val[:, None], lane, jnp.int32(2**30)), axis=1)
        better = val < run_val
        return jnp.where(better, val, run_val), jnp.where(better, idx, run_idx)

    def chunk_step(c, carry):
        acc_val, acc_idx = carry
        init = (jnp.full((_TOK_TILE,), jnp.inf, jnp.float32),
                jnp.zeros((_TOK_TILE,), jnp.int32))
        v, i = lax.fori_loop(c * _TILES_PER_CHUNK, (c + 1) * _TILES_PER_CHUNK,
                             tile_step, init)
        acc_r = acc_val.astype(jnp.bfloat16).astype(jnp.float32)
        better = v < acc_r
        return jnp.where(better, v, acc_r), jnp.where(better, i, acc_idx)

    init = (jnp.full((_TOK_TILE,), jnp.inf, jnp.float32),
            jnp.zeros((_TOK_TILE,), jnp.int32))
    _, run_idx = lax.fori_loop(0, _N_CHUNKS, chunk_step, init)
    idx_ref[...] = run_idx.reshape(1, 1, _TOK_TILE)


def _compute_indices(z_flat, zsq3, codebook):
    return pl.pallas_call(
        _argmin_body,
        grid=(_N_TOK // _TOK_TILE,),
        in_specs=[
            pl.BlockSpec((_TOK_TILE, _DIM), lambda b: (b, 0)),
            pl.BlockSpec((1, 1, _TOK_TILE), lambda b: (b, 0, 0)),
            pl.BlockSpec((_NUM_EMB, _DIM), lambda b: (0, 0)),
        ],
        out_specs=pl.BlockSpec((1, 1, _TOK_TILE), lambda b: (b, 0, 0)),
        out_shape=jax.ShapeDtypeStruct((_N_TOK // _TOK_TILE, 1, _TOK_TILE),
                                       jnp.int32),
    )(z_flat, zsq3, codebook)


def _gather_body(cb_hbm, idx_hbm, out_hbm, idx_v, rows_v, sem):
    wid = lax.axis_index("s") * _NC + lax.axis_index("c")
    nrow = _BPW // _GCHUNK
    pltpu.sync_copy(idx_hbm.at[pl.ds(wid * nrow, nrow)], idx_v)
    for j in range(nrow):
        pltpu.async_copy(cb_hbm.at[idx_v.at[j]],
                         rows_v.at[pl.ds(j * _GCHUNK, _GCHUNK)], sem).wait()
    pltpu.sync_copy(rows_v, out_hbm.at[pl.ds(wid * _BPW, _BPW)])


@functools.lru_cache(maxsize=None)
def _sc_gather():
    return pl.kernel(
        _gather_body,
        out_type=jax.ShapeDtypeStruct((_N_TOK, _DIM), jnp.float32),
        mesh=plsc.VectorSubcoreMesh(core_axis_name="c", subcore_axis_name="s",
                                    num_cores=_NC, num_subcores=_NS),
        scratch_types=[
            pltpu.VMEM((_BPW // _GCHUNK, _GCHUNK), jnp.int32),
            pltpu.VMEM((_BPW, _DIM), jnp.float32),
            pltpu.SemaphoreType.DMA,
        ],
        compiler_params=pltpu.CompilerParams(use_tc_tiling_on_sc=False),
    )


def _st_loss_body(zt_ref, zq_ref, out_ref, part_ref):
    zt = zt_ref[...]
    zq = zq_ref[...]
    out_ref[...] = zt + (zq - zt)
    diff = zq - zt
    part_ref[0, 0, 0] = jnp.sum(diff * diff)


def _st_loss(z_flat, zq_flat):
    return pl.pallas_call(
        _st_loss_body,
        grid=(_N_TOK // _TOK_TILE,),
        in_specs=[
            pl.BlockSpec((_TOK_TILE, _DIM), lambda b: (b, 0)),
            pl.BlockSpec((_TOK_TILE, _DIM), lambda b: (b, 0)),
        ],
        out_specs=[
            pl.BlockSpec((_TOK_TILE, _DIM), lambda b: (b, 0)),
            pl.BlockSpec((1, 1, 1), lambda b: (b, 0, 0),
                         memory_space=pltpu.SMEM),
        ],
        out_shape=[
            jax.ShapeDtypeStruct((_N_TOK, _DIM), jnp.float32),
            jax.ShapeDtypeStruct((_N_TOK // _TOK_TILE, 1, 1), jnp.float32),
        ],
    )(z_flat, zq_flat)


def kernel(z, codebook):
    z_p = jnp.transpose(z, (0, 2, 3, 1))
    z_flat = z_p.reshape(_N_TOK, _DIM)
    zsq3 = jnp.sum(z_flat ** 2, axis=1).reshape(_N_TOK // _TOK_TILE, 1, _TOK_TILE)
    idx = _compute_indices(z_flat, zsq3, codebook)
    idx2 = idx.reshape(_N_TOK // _GCHUNK, _GCHUNK)
    zq_flat = _sc_gather()(codebook, idx2)
    zq_st_flat, parts = _st_loss(z_flat, zq_flat)
    m = jnp.sum(parts) / (_N_TOK * _DIM)
    loss = m + 0.5 * m
    zq_st = jnp.transpose(zq_st_flat.reshape(8, 32, 32, _DIM), (0, 3, 1, 2))
    return zq_st, loss

# --- scband reference (transcript-rebuilt; emitter-appended) ---
"""Pipeline reference for scband-vector-quantizer-43894565765540 (READ-ONLY COPY).

The authoritative reference and input builder live on the scoring server;
editing this copy changes nothing except your own understanding.
"""

import jax, jax.numpy as jnp
import numpy as np

NUM_EMBEDDINGS = 8192
EMBEDDING_DIM = 32
COMMITMENT_COST = 0.5

def setup_inputs(seed: int = 0) -> dict:
    key = jax.random.key(seed)
    k1, k2 = jax.random.split(key)
    z = jax.random.normal(k1, (8, 32, 32, 32), dtype=jnp.float32)
    codebook = jax.random.uniform(k2, (NUM_EMBEDDINGS, EMBEDDING_DIM), dtype=jnp.float32, minval=-1.0 / NUM_EMBEDDINGS, maxval=1.0 / NUM_EMBEDDINGS)
    return {"z": z, "codebook": codebook}

def reference(z, codebook):
    # z: [B, C, H, W] with C == embedding_dim
    z_p = jnp.transpose(z, (0, 2, 3, 1))  # [B, H, W, C]
    z_flat = z_p.reshape(-1, EMBEDDING_DIM)  # [B*H*W, C]
    distances = (jnp.sum(z_flat ** 2, axis=1, keepdims=True)
                 + jnp.sum(codebook ** 2, axis=1)
                 - 2.0 * jnp.matmul(z_flat, codebook.T))  # [N, K]
    encoding_indices = jnp.argmin(distances, axis=1)  # [N]
    z_q = jnp.take(codebook, encoding_indices, axis=0).reshape(z_p.shape)  # [B,H,W,C]
    z_q_st = z_p + jax.lax.stop_gradient(z_q - z_p)
    loss = (jnp.mean((jax.lax.stop_gradient(z_q) - z_p) ** 2)
            + COMMITMENT_COST * jnp.mean((z_q - jax.lax.stop_gradient(z_p)) ** 2))
    z_q_st = jnp.transpose(z_q_st, (0, 3, 1, 2))  # back to [B, C, H, W]
    return (z_q_st, loss)

if __name__ == "__main__":
    import jax
    _d = setup_inputs()
    print(jax.jit(kernel)(*tuple(_d.values())))

</pallas_src>

<mosaic_0001>
#map = affine_map<(d0, d1) -> (0, 0)>
module attributes {stable_mosaic.version = 14 : i64} {
  func.func @_gather_body(%arg0: i32, %arg1: i32, %arg2: memref<8192x32xf32, #tpu.memory_space<hbm>>, %arg3: memref<64x128xi32, #tpu.memory_space<hbm>>, %arg4: memref<8192x32xf32, #tpu.memory_space<hbm>>, %arg5: memref<2x128xi32, #tpu.memory_space<vmem>>, %arg6: memref<256x32xf32, #tpu.memory_space<vmem>>, %arg7: memref<!tpu.dma_semaphore, #tpu.memory_space<semaphore_mem>>) attributes {dimension_semantics = [#tpu.dimension_semantics<core_parallel>, #tpu.dimension_semantics<subcore_parallel>], iteration_bounds = array<i64: 2, 16>, scalar_prefetch = 0 : i64, scratch_operands = 3 : i64, tpu.core_type = #tpu.core_type<sc_vector_subcore>, window_params = [{transform_indices = #map}, {transform_indices = #map}, {transform_indices = #map}]} {
    %mul3A = arith.constant 2 : i32
    %mul3A_0 = arith.muli %arg1, %mul3A : i32
    %add3A = arith.addi %mul3A_0, %arg0 : i32
    %mul3A_1 = arith.constant 2 : i32
    %mul3A_2 = arith.muli %add3A, %mul3A_1 : i32
    "tpu.region"() ({
      %run_scoped3A = tpu.sem_alloc : memref<!tpu.dma_semaphore, #tpu.memory_space<semaphore_mem>>
      %dma_start3A_43 = arith.constant 0 : i32
      %dma_start3A_44 = tpu.memref_slice %arg3[%mul3A_2, %dma_start3A_43] : memref<64x128xi32, #tpu.memory_space<hbm>> -> memref<2x128xi32, #tpu.memory_space<hbm>>
      %dma_start3A_45 = arith.constant 0 : i32
      %dma_start3A_46 = tpu.memref_slice %arg3[%mul3A_2, %dma_start3A_45] : memref<64x128xi32, #tpu.memory_space<hbm>> -> memref<2x128xi32, #tpu.memory_space<hbm>>
      tpu.enqueue_dma source(%dma_start3A_46 : memref<2x128xi32, #tpu.memory_space<hbm>>) target(%arg5 : memref<2x128xi32, #tpu.memory_space<vmem>>) target_semaphore(%run_scoped3A : memref<!tpu.dma_semaphore, #tpu.memory_space<semaphore_mem>>)
      %dma_wait3A_47 = arith.constant 0 : i32
      %dma_wait3A_48 = tpu.memref_slice %arg3[%mul3A_2, %dma_wait3A_47] : memref<64x128xi32, #tpu.memory_space<hbm>> -> memref<2x128xi32, #tpu.memory_space<hbm>>
      %dma_wait3A_49 = arith.constant 0 : i32
      %dma_wait3A_50 = tpu.memref_slice %arg3[%mul3A_2, %dma_wait3A_49] : memref<64x128xi32, #tpu.memory_space<hbm>> -> memref<2x128xi32, #tpu.memory_space<hbm>>
      tpu.wait_dma2 semaphore(%run_scoped3A : memref<!tpu.dma_semaphore, #tpu.memory_space<semaphore_mem>>) src(%dma_wait3A_50 : memref<2x128xi32, #tpu.memory_space<hbm>>) dst(%arg5 : memref<2x128xi32, #tpu.memory_space<vmem>>)
      tpu.yield
    }) : () -> ()
    %dma_start3A = arith.constant 0 : i32
    %dma_start3A_3 = arith.constant 0 : i32
    %dma_start3A_4 = arith.constant 0 : i32
    %dma_start3A_5 = tpu.memref_slice %arg6[%dma_start3A_3, %dma_start3A_4] : memref<256x32xf32, #tpu.memory_space<vmem>> -> memref<128x32xf32, #tpu.memory_space<vmem>>
    %dma_start3A_6 = arith.constant 0 : i32
    %dma_start3A_7 = tpu.memref_slice %arg5[%dma_start3A, %dma_start3A_6] : memref<2x128xi32, #tpu.memory_space<vmem>> -> memref<1x128xi32, #tpu.memory_space<vmem>>
    %dma_start3A_8 = tpu.memref_squeeze %dma_start3A_7 : memref<1x128xi32, #tpu.memory_space<vmem>> -> memref<128xi32, #tpu.memory_space<vmem>>
    %dma_start3A_9 = arith.constant 0 : i32
    %dma_start3A_10 = arith.constant 0 : i32
    %dma_start3A_11 = tpu.memref_slice %arg2[%dma_start3A_9, %dma_start3A_10] : memref<8192x32xf32, #tpu.memory_space<hbm>> -> memref<8192x32xf32, #tpu.memory_space<hbm>>
    tpu.enqueue_indirect_dma source(%dma_start3A_11 : memref<8192x32xf32, #tpu.memory_space<hbm>>) target(%dma_start3A_5 : memref<128x32xf32, #tpu.memory_space<vmem>>) offsets(%dma_start3A_8 : memref<128xi32, #tpu.memory_space<vmem>>) semaphore(%arg7 : memref<!tpu.dma_semaphore, #tpu.memory_space<semaphore_mem>>)
    %dma_wait3A = arith.constant 0 : i32
    %dma_wait3A_12 = arith.constant 0 : i32
    %dma_wait3A_13 = arith.constant 0 : i32
    %dma_wait3A_14 = tpu.memref_slice %arg6[%dma_wait3A_12, %dma_wait3A_13] : memref<256x32xf32, #tpu.memory_space<vmem>> -> memref<128x32xf32, #tpu.memory_space<vmem>>
    %dma_wait3A_15 = arith.constant 0 : i32
    %dma_wait3A_16 = tpu.memref_slice %arg5[%dma_wait3A, %dma_wait3A_15] : memref<2x128xi32, #tpu.memory_space<vmem>> -> memref<1x128xi32, #tpu.memory_space<vmem>>
    %dma_wait3A_17 = tpu.memref_squeeze %dma_wait3A_16 : memref<1x128xi32, #tpu.memory_space<vmem>> -> memref<128xi32, #tpu.memory_space<vmem>>
    %dma_wait3A_18 = arith.constant 0 : i32
    %dma_wait3A_19 = arith.constant 0 : i32
    %dma_wait3A_20 = tpu.memref_slice %arg2[%dma_wait3A_18, %dma_wait3A_19] : memref<8192x32xf32, #tpu.memory_space<hbm>> -> memref<8192x32xf32, #tpu.memory_space<hbm>>
    tpu.wait_indirect_dma semaphore(%arg7 : memref<!tpu.dma_semaphore, #tpu.memory_space<semaphore_mem>>) src(%dma_wait3A_20 : memref<8192x32xf32, #tpu.memory_space<hbm>>) dst(%dma_wait3A_14 : memref<128x32xf32, #tpu.memory_space<vmem>>)
    %dma_start3A_21 = arith.constant 1 : i32
    %dma_start3A_22 = arith.constant 128 : i32
    %dma_start3A_23 = arith.constant 0 : i32
    %dma_start3A_24 = tpu.memref_slice %arg6[%dma_start3A_22, %dma_start3A_23] : memref<256x32xf32, #tpu.memory_space<vmem>> -> memref<128x32xf32, #tpu.memory_space<vmem>>
    %dma_start3A_25 = arith.constant 0 : i32
    %dma_start3A_26 = tpu.memref_slice %arg5[%dma_start3A_21, %dma_start3A_25] : memref<2x128xi32, #tpu.memory_space<vmem>> -> memref<1x128xi32, #tpu.memory_space<vmem>>
    %dma_start3A_27 = tpu.memref_squeeze %dma_start3A_26 : memref<1x128xi32, #tpu.memory_space<vmem>> -> memref<128xi32, #tpu.memory_space<vmem>>
    %dma_start3A_28 = arith.constant 0 : i32
    %dma_start3A_29 = arith.constant 0 : i32
    %dma_start3A_30 = tpu.memref_slice %arg2[%dma_start3A_28, %dma_start3A_29] : memref<8192x32xf32, #tpu.memory_space<hbm>> -> memref<8192x32xf32, #tpu.memory_space<hbm>>
    tpu.enqueue_indirect_dma source(%dma_start3A_30 : memref<8192x32xf32, #tpu.memory_space<hbm>>) target(%dma_start3A_24 : memref<128x32xf32, #tpu.memory_space<vmem>>) offsets(%dma_start3A_27 : memref<128xi32, #tpu.memory_space<vmem>>) semaphore(%arg7 : memref<!tpu.dma_semaphore, #tpu.memory_space<semaphore_mem>>)
    %dma_wait3A_31 = arith.constant 1 : i32
    %dma_wait3A_32 = arith.constant 128 : i32
    %dma_wait3A_33 = arith.constant 0 : i32
    %dma_wait3A_34 = tpu.memref_slice %arg6[%dma_wait3A_32, %dma_wait3A_33] : memref<256x32xf32, #tpu.memory_space<vmem>> -> memref<128x32xf32, #tpu.memory_space<vmem>>
    %dma_wait3A_35 = arith.constant 0 : i32
    %dma_wait3A_36 = tpu.memref_slice %arg5[%dma_wait3A_31, %dma_wait3A_35] : memref<2x128xi32, #tpu.memory_space<vmem>> -> memref<1x128xi32, #tpu.memory_space<vmem>>
    %dma_wait3A_37 = tpu.memref_squeeze %dma_wait3A_36 : memref<1x128xi32, #tpu.memory_space<vmem>> -> memref<128xi32, #tpu.memory_space<vmem>>
    %dma_wait3A_38 = arith.constant 0 : i32
    %dma_wait3A_39 = arith.constant 0 : i32
    %dma_wait3A_40 = tpu.memref_slice %arg2[%dma_wait3A_38, %dma_wait3A_39] : memref<8192x32xf32, #tpu.memory_space<hbm>> -> memref<8192x32xf32, #tpu.memory_space<hbm>>
    tpu.wait_indirect_dma semaphore(%arg7 : memref<!tpu.dma_semaphore, #tpu.memory_space<semaphore_mem>>) src(%dma_wait3A_40 : memref<8192x32xf32, #tpu.memory_space<hbm>>) dst(%dma_wait3A_34 : memref<128x32xf32, #tpu.memory_space<vmem>>)
    %mul3A_41 = arith.constant 256 : i32
    %mul3A_42 = arith.muli %add3A, %mul3A_41 : i32
    "tpu.region"() ({
      %run_scoped3A = tpu.sem_alloc : memref<!tpu.dma_semaphore, #tpu.memory_space<semaphore_mem>>
      %dma_start3A_43 = arith.constant 0 : i32
      %dma_start3A_44 = tpu.memref_slice %arg4[%mul3A_42, %dma_start3A_43] : memref<8192x32xf32, #tpu.memory_space<hbm>> -> memref<256x32xf32, #tpu.memory_space<hbm>>
      %dma_start3A_45 = arith.constant 0 : i32
      %dma_start3A_46 = tpu.memref_slice %arg4[%mul3A_42, %dma_start3A_45] : memref<8192x32xf32, #tpu.memory_space<hbm>> -> memref<256x32xf32, #tpu.memory_space<hbm>>
      tpu.enqueue_dma source(%arg6 : memref<256x32xf32, #tpu.memory_space<vmem>>) target(%dma_start3A_46 : memref<256x32xf32, #tpu.memory_space<hbm>>) target_semaphore(%run_scoped3A : memref<!tpu.dma_semaphore, #tpu.memory_space<semaphore_mem>>)
      %dma_wait3A_47 = arith.constant 0 : i32
      %dma_wait3A_48 = tpu.memref_slice %arg4[%mul3A_42, %dma_wait3A_47] : memref<8192x32xf32, #tpu.memory_space<hbm>> -> memref<256x32xf32, #tpu.memory_space<hbm>>
      %dma_wait3A_49 = arith.constant 0 : i32
      %dma_wait3A_50 = tpu.memref_slice %arg4[%mul3A_42, %dma_wait3A_49] : memref<8192x32xf32, #tpu.memory_space<hbm>> -> memref<256x32xf32, #tpu.memory_space<hbm>>
      tpu.wait_dma2 semaphore(%run_scoped3A : memref<!tpu.dma_semaphore, #tpu.memory_space<semaphore_mem>>) src(%arg6 : memref<256x32xf32, #tpu.memory_space<vmem>>) dst(%dma_wait3A_50 : memref<256x32xf32, #tpu.memory_space<hbm>>)
      tpu.yield
    }) : () -> ()
    return
  }
}

module attributes {stable_mosaic.version = 14 : i64} {
  func.func @_argmin_body(%arg0: i32, %arg1: memref<2048x32xf32, #tpu.memory_space<vmem>>, %arg2: memref<1x1x2048xf32, #tpu.memory_space<vmem>>, %arg3: memref<8192x32xf32, #tpu.memory_space<vmem>>, %arg4: memref<1x1x2048xi32, #tpu.memory_space<vmem>>) attributes {dimension_semantics = [#tpu.dimension_semantics<arbitrary>], iteration_bounds = array<i64: 4>, scalar_prefetch = 0 : i64, scratch_operands = 0 : i64, tpu.core_type = #tpu.core_type<tc>, window_params = [{transform_indices = @transform_0, window_bounds = array<i64: 2048, 32>}, {transform_indices = @transform_1, window_bounds = array<i64: 1, 1, 2048>}, {pipeline_mode = #tpu.pipeline_mode<synchronous>, transform_indices = @transform_2, window_bounds = array<i64: 8192, 32>}, {transform_indices = @transform_3, window_bounds = array<i64: 1, 1, 2048>}]} {
    %get3A = arith.constant 0 : index
    %get3A_0 = arith.constant 0 : index
    %get3A_1 = vector.load %arg1[%get3A, %get3A_0] : memref<2048x32xf32, #tpu.memory_space<vmem>>, vector<2048x32xf32>
    %get3A_2 = arith.constant 0 : index
    %get3A_3 = arith.constant 0 : index
    %get3A_4 = arith.constant 0 : index
    %get3A_5 = vector.load %arg2[%get3A_2, %get3A_3, %get3A_4] : memref<1x1x2048xf32, #tpu.memory_space<vmem>>, vector<1x1x2048xf32>
    %reshape3A = vector.shape_cast %get3A_5 : vector<1x1x2048xf32> to vector<2048xf32>
    %convert_element_type3A = arith.truncf %get3A_1 : vector<2048x32xf32> to vector<2048x32xbf16>
    %broadcast_in_dim3A = arith.constant 0x7F800000 : f32
    %broadcast_in_dim3A_6 = vector.broadcast %broadcast_in_dim3A : f32 to vector<2048xf32>
    %broadcast_in_dim3A_7 = arith.constant 0 : i32
    %broadcast_in_dim3A_8 = vector.broadcast %broadcast_in_dim3A_7 : i32 to vector<2048xi32>
    %scan3A = arith.constant 0 : i32
    %scan3A_9 = arith.constant 4 : i32
    %scan3A_10 = arith.addi %scan3A, %scan3A_9 : i32
    %scan3A_11 = arith.constant 1 : i32
    %scan3A_12:2 = scf.for %scan3A_18 = %scan3A to %scan3A_10 step %scan3A_11 iter_args(%scan3A_19 = %broadcast_in_dim3A_6, %scan3A_20 = %broadcast_in_dim3A_8) -> (vector<2048xf32>, vector<2048xi32>)  : i32 {
      %broadcast_in_dim3A_21 = arith.constant 0x7F800000 : f32
      %broadcast_in_dim3A_22 = vector.broadcast %broadcast_in_dim3A_21 : f32 to vector<2048xf32>
      %broadcast_in_dim3A_23 = arith.constant 0 : i32
      %broadcast_in_dim3A_24 = vector.broadcast %broadcast_in_dim3A_23 : i32 to vector<2048xi32>
      %mul3A = arith.constant 1 : i32
      %mul3A_25 = arith.muli %scan3A_18, %mul3A : i32
      %add3A = arith.constant 1 : i32
      %add3A_26 = arith.addi %scan3A_18, %add3A : i32
      %mul3A_27 = arith.constant 1 : i32
      %mul3A_28 = arith.muli %add3A_26, %mul3A_27 : i32
      %while3A = arith.subi %mul3A_28, %mul3A_25 : i32
      %while3A_29 = arith.addi %mul3A_25, %while3A : i32
      %while3A_30 = arith.constant 1 : i32
      %while3A_31 = arith.divsi %while3A, %while3A_30 : i32
      %while3A_32 = arith.muli %while3A_31, %while3A_30 : i32
      %while3A_33 = arith.addi %mul3A_25, %while3A_32 : i32
      %while3A_34 = arith.constant 1 : i32
      %while3A_35:2 = scf.for %while3A_41 = %mul3A_25 to %while3A_33 step %while3A_34 iter_args(%while3A_42 = %broadcast_in_dim3A_22, %while3A_43 = %broadcast_in_dim3A_24) -> (vector<2048xf32>, vector<2048xi32>)  : i32 {
        %mul3A_44 = arith.constant 2048 : i32
        %mul3A_45 = arith.muli %while3A_41, %mul3A_44 : i32
        %get3A_46 = arith.index_cast %mul3A_45 : i32 to index
        %get3A_47 = arith.constant 0 : index
        %get3A_48 = vector.load %arg3[%get3A_46, %get3A_47] : memref<8192x32xf32, #tpu.memory_space<vmem>>, vector<2048x32xf32>
        %mul3A_49 = arith.mulf %get3A_48, %get3A_48 : vector<2048x32xf32>
        %reduce_sum3A = arith.constant dense<0.000000e+00> : vector<2048xf32>
        %reduce_sum3A_50 = vector.multi_reduction <add>, %mul3A_49, %reduce_sum3A [1] : vector<2048x32xf32> to vector<2048xf32>
        %dot_general3A = arith.constant dense<0.000000e+00> : vector<2048x2048xf32>
        %dot_general3A_51 = tpu.matmul %convert_element_type3A, %get3A_48, %dot_general3A {dimension_numbers = #tpu.dot_dimension_numbers<[1], [1], [0], [0], [0, 0, 1, 0], [], []>, transpose_lhs_hint = false} : vector<2048x32xbf16>, vector<2048x32xf32>, vector<2048x2048xf32> -> vector<2048x2048xf32>
        %broadcast_in_dim3A_52 = vector.shape_cast %reshape3A : vector<2048xf32> to vector<2048x1xf32>
        %broadcast_in_dim3A_53 = vector.shape_cast %reduce_sum3A_50 : vector<2048xf32> to vector<1x2048xf32>
        %add3A_54 = vector.broadcast %broadcast_in_dim3A_52 : vector<2048x1xf32> to vector<2048x2048xf32>
        %add3A_55 = vector.broadcast %broadcast_in_dim3A_53 : vector<1x2048xf32> to vector<2048x2048xf32>
        %add3A_56 = arith.addf %add3A_54, %add3A_55 : vector<2048x2048xf32>
        %mul3A_57 = arith.constant 2.000000e+00 : f32
        %mul3A_58 = vector.broadcast %mul3A_57 : f32 to vector<2048x2048xf32>
        %mul3A_59 = arith.mulf %mul3A_58, %dot_general3A_51 : vector<2048x2048xf32>
        %sub3A = arith.subf %add3A_56, %mul3A_59 : vector<2048x2048xf32>
        %reduce_min3A = arith.constant dense<0x7F800000> : vector<2048xf32>
        %reduce_min3A_60 = vector.multi_reduction <minimumf>, %sub3A, %reduce_min3A [1] : vector<2048x2048xf32> to vector<2048xf32>
        %iota3A = tpu.iota {dimensions = array<i32: 1>} : vector<2048x2048xi32>
        %mul3A_61 = arith.constant 2048 : i32
        %mul3A_62 = arith.muli %while3A_41, %mul3A_61 : i32
        %add3A_63 = vector.broadcast %mul3A_62 : i32 to vector<2048x2048xi32>
        %add3A_64 = arith.addi %iota3A, %add3A_63 : vector<2048x2048xi32>
        %broadcast_in_dim3A_65 = vector.shape_cast %reduce_min3A_60 : vector<2048xf32> to vector<2048x1xf32>
        %eq3A = vector.broadcast %broadcast_in_dim3A_65 : vector<2048x1xf32> to vector<2048x2048xf32>
        %eq3A_66 = arith.cmpf oeq, %sub3A, %eq3A : vector<2048x2048xf32>
        %jit3A = arith.constant 1073741824 : i32
        %broadcast_in_dim3A_67 = vector.broadcast %jit3A : i32 to vector<2048x2048xi32>
        %select_n3A_68 = arith.select %eq3A_66, %add3A_64, %broadcast_in_dim3A_67 : vector<2048x2048xi1>, vector<2048x2048xi32>
        %reduce_min3A_69 = arith.constant dense<2147483647> : vector<2048xi32>
        %reduce_min3A_70 = vector.multi_reduction <minsi>, %select_n3A_68, %reduce_min3A_69 [1] : vector<2048x2048xi32> to vector<2048xi32>
        %lt3A_71 = arith.cmpf olt, %reduce_min3A_60, %while3A_42 : vector<2048xf32>
        %select_n3A_72 = arith.select %lt3A_71, %reduce_min3A_60, %while3A_42 : vector<2048xi1>, vector<2048xf32>
        %select_n3A_73 = arith.select %lt3A_71, %reduce_min3A_70, %while3A_43 : vector<2048xi1>, vector<2048xi32>
        scf.yield %select_n3A_72, %select_n3A_73 : vector<2048xf32>, vector<2048xi32>
      }
      %while3A_36 = arith.constant 1 : i32
      %while3A_37:2 = scf.for %while3A_41 = %while3A_33 to %while3A_29 step %while3A_36 iter_args(%while3A_42 = %while3A_35#0, %while3A_43 = %while3A_35#1) -> (vector<2048xf32>, vector<2048xi32>)  : i32 {
        %mul3A_44 = arith.constant 2048 : i32
        %mul3A_45 = arith.muli %while3A_41, %mul3A_44 : i32
        %get3A_46 = arith.index_cast %mul3A_45 : i32 to index
        %get3A_47 = arith.constant 0 : index
        %get3A_48 = vector.load %arg3[%get3A_46, %get3A_47] : memref<8192x32xf32, #tpu.memory_space<vmem>>, vector<2048x32xf32>
        %mul3A_49 = arith.mulf %get3A_48, %get3A_48 : vector<2048x32xf32>
        %reduce_sum3A = arith.constant dense<0.000000e+00> : vector<2048xf32>
        %reduce_sum3A_50 = vector.multi_reduction <add>, %mul3A_49, %reduce_sum3A [1] : vector<2048x32xf32> to vector<2048xf32>
        %dot_general3A = arith.constant dense<0.000000e+00> : vector<2048x2048xf32>
        %dot_general3A_51 = tpu.matmul %convert_element_type3A, %get3A_48, %dot_general3A {dimension_numbers = #tpu.dot_dimension_numbers<[1], [1], [0], [0], [0, 0, 1, 0], [], []>, transpose_lhs_hint = false} : vector<2048x32xbf16>, vector<2048x32xf32>, vector<2048x2048xf32> -> vector<2048x2048xf32>
        %broadcast_in_dim3A_52 = vector.shape_cast %reshape3A : vector<2048xf32> to vector<2048x1xf32>
        %broadcast_in_dim3A_53 = vector.shape_cast %reduce_sum3A_50 : vector<2048xf32> to vector<1x2048xf32>
        %add3A_54 = vector.broadcast %broadcast_in_dim3A_52 : vector<2048x1xf32> to vector<2048x2048xf32>
        %add3A_55 = vector.broadcast %broadcast_in_dim3A_53 : vector<1x2048xf32> to vector<2048x2048xf32>
        %add3A_56 = arith.addf %add3A_54, %add3A_55 : vector<2048x2048xf32>
        %mul3A_57 = arith.constant 2.000000e+00 : f32
        %mul3A_58 = vector.broadcast %mul3A_57 : f32 to vector<2048x2048xf32>
        %mul3A_59 = arith.mulf %mul3A_58, %dot_general3A_51 : vector<2048x2048xf32>
        %sub3A = arith.subf %add3A_56, %mul3A_59 : vector<2048x2048xf32>
        %reduce_min3A = arith.constant dense<0x7F800000> : vector<2048xf32>
        %reduce_min3A_60 = vector.multi_reduction <minimumf>, %sub3A, %reduce_min3A [1] : vector<2048x2048xf32> to vector<2048xf32>
        %iota3A = tpu.iota {dimensions = array<i32: 1>} : vector<2048x2048xi32>
        %mul3A_61 = arith.constant 2048 : i32
        %mul3A_62 = arith.muli %while3A_41, %mul3A_61 : i32
        %add3A_63 = vector.broadcast %mul3A_62 : i32 to vector<2048x2048xi32>
        %add3A_64 = arith.addi %iota3A, %add3A_63 : vector<2048x2048xi32>
        %broadcast_in_dim3A_65 = vector.shape_cast %reduce_min3A_60 : vector<2048xf32> to vector<2048x1xf32>
        %eq3A = vector.broadcast %broadcast_in_dim3A_65 : vector<2048x1xf32> to vector<2048x2048xf32>
        %eq3A_66 = arith.cmpf oeq, %sub3A, %eq3A : vector<2048x2048xf32>
        %jit3A = arith.constant 1073741824 : i32
        %broadcast_in_dim3A_67 = vector.broadcast %jit3A : i32 to vector<2048x2048xi32>
        %select_n3A_68 = arith.select %eq3A_66, %add3A_64, %broadcast_in_dim3A_67 : vector<2048x2048xi1>, vector<2048x2048xi32>
        %reduce_min3A_69 = arith.constant dense<2147483647> : vector<2048xi32>
        %reduce_min3A_70 = vector.multi_reduction <minsi>, %select_n3A_68, %reduce_min3A_69 [1] : vector<2048x2048xi32> to vector<2048xi32>
        %lt3A_71 = arith.cmpf olt, %reduce_min3A_60, %while3A_42 : vector<2048xf32>
        %select_n3A_72 = arith.select %lt3A_71, %reduce_min3A_60, %while3A_42 : vector<2048xi1>, vector<2048xf32>
        %select_n3A_73 = arith.select %lt3A_71, %reduce_min3A_70, %while3A_43 : vector<2048xi1>, vector<2048xi32>
        scf.yield %select_n3A_72, %select_n3A_73 : vector<2048xf32>, vector<2048xi32>
      }
      %convert_element_type3A_38 = arith.truncf %scan3A_19 : vector<2048xf32> to vector<2048xbf16>
      %convert_element_type3A_39 = arith.extf %convert_element_type3A_38 : vector<2048xbf16> to vector<2048xf32>
      %lt3A = arith.cmpf olt, %while3A_37#0, %convert_element_type3A_39 : vector<2048xf32>
      %select_n3A = arith.select %lt3A, %while3A_37#0, %convert_element_type3A_39 : vector<2048xi1>, vector<2048xf32>
      %select_n3A_40 = arith.select %lt3A, %while3A_37#1, %scan3A_20 : vector<2048xi1>, vector<2048xi32>
      scf.yield %select_n3A, %select_n3A_40 : vector<2048xf32>, vector<2048xi32>
    }
    %scan3A_13 = arith.constant 4 : i32
    %reshape3A_14 = vector.shape_cast %scan3A_12#1 : vector<2048xi32> to vector<1x1x2048xi32>
    %swap3A = arith.constant 0 : index
    %swap3A_15 = arith.constant 0 : index
    %swap3A_16 = arith.constant 0 : index
    %swap3A_17 = vector.load %arg4[%swap3A, %swap3A_15, %swap3A_16] : memref<1x1x2048xi32, #tpu.memory_space<vmem>>, vector<1x1x2048xi32>
    tpu.vector_store %arg4[%swap3A, %swap3A_15, %swap3A_16], %reshape3A_14 {strides = array<i32>} : memref<1x1x2048xi32, #tpu.memory_space<vmem>>, vector<1x1x2048xi32>,
    return
  }
  func.func @transform_0(%arg0: i32) -> (i32, i32) {
    %c0_i32 = arith.constant 0 : i32
    %c0_i32_0 = arith.constant 0 : i32
    return %arg0, %c0_i32 : i32, i32
  }
  func.func @transform_1(%arg0: i32) -> (i32, i32, i32) {
    %c0_i32 = arith.constant 0 : i32
    %c0_i32_0 = arith.constant 0 : i32
    %c0_i32_1 = arith.constant 0 : i32
    return %arg0, %c0_i32, %c0_i32_0 : i32, i32, i32
  }
  func.func @transform_2(%arg0: i32) -> (i32, i32) {
    %c0_i32 = arith.constant 0 : i32
    %c0_i32_0 = arith.constant 0 : i32
    %c0_i32_1 = arith.constant 0 : i32
    return %c0_i32, %c0_i32_0 : i32, i32
  }
  func.func @transform_3(%arg0: i32) -> (i32, i32, i32) {
    %c0_i32 = arith.constant 0 : i32
    %c0_i32_0 = arith.constant 0 : i32
    %c0_i32_1 = arith.constant 0 : i32
    return %arg0, %c0_i32, %c0_i32_0 : i32, i32, i32
  }
}

module attributes {stable_mosaic.version = 14 : i64} {
  func.func @_st_loss_body(%arg0: i32, %arg1: memref<2048x32xf32, #tpu.memory_space<vmem>>, %arg2: memref<2048x32xf32, #tpu.memory_space<vmem>>, %arg3: memref<2048x32xf32, #tpu.memory_space<vmem>>, %arg4: memref<1x1x1xf32, #tpu.memory_space<smem>>) attributes {dimension_semantics = [#tpu.dimension_semantics<arbitrary>], iteration_bounds = array<i64: 4>, scalar_prefetch = 0 : i64, scratch_operands = 0 : i64, tpu.core_type = #tpu.core_type<tc>, window_params = [{transform_indices = @transform_0, window_bounds = array<i64: 2048, 32>}, {transform_indices = @transform_1, window_bounds = array<i64: 2048, 32>}, {transform_indices = @transform_2, window_bounds = array<i64: 2048, 32>}, {transform_indices = @transform_3, window_bounds = array<i64: 1, 1, 1>}]} {
    %get3A = arith.constant 0 : index
    %get3A_0 = arith.constant 0 : index
    %get3A_1 = vector.load %arg1[%get3A, %get3A_0] : memref<2048x32xf32, #tpu.memory_space<vmem>>, vector<2048x32xf32>
    %get3A_2 = arith.constant 0 : index
    %get3A_3 = arith.constant 0 : index
    %get3A_4 = vector.load %arg2[%get3A_2, %get3A_3] : memref<2048x32xf32, #tpu.memory_space<vmem>>, vector<2048x32xf32>
    %sub3A = arith.subf %get3A_4, %get3A_1 : vector<2048x32xf32>
    %add3A = arith.addf %get3A_1, %sub3A : vector<2048x32xf32>
    %swap3A = arith.constant 0 : index
    %swap3A_5 = arith.constant 0 : index
    %swap3A_6 = vector.load %arg3[%swap3A, %swap3A_5] : memref<2048x32xf32, #tpu.memory_space<vmem>>, vector<2048x32xf32>
    tpu.vector_store %arg3[%swap3A, %swap3A_5], %add3A {strides = array<i32>} : memref<2048x32xf32, #tpu.memory_space<vmem>>, vector<2048x32xf32>,
    %sub3A_7 = arith.subf %get3A_4, %get3A_1 : vector<2048x32xf32>
    %mul3A = arith.mulf %sub3A_7, %sub3A_7 : vector<2048x32xf32>
    %reduce_sum3A = vector.shape_cast %mul3A : vector<2048x32xf32> to vector<1x2048x32xf32>
    %reduce_sum3A_8 = arith.constant dense<0.000000e+00> : vector<1xf32>
    %reduce_sum3A_9 = vector.multi_reduction <add>, %reduce_sum3A, %reduce_sum3A_8 [1, 2] : vector<1x2048x32xf32> to vector<1xf32>
    %reduce_sum3A_10 = vector.shape_cast %reduce_sum3A_9 : vector<1xf32> to vector<1x1x1xf32>
    %reduce_sum3A_11 = vector.extract %reduce_sum3A_10[0, 0, 0] : f32 from vector<1x1x1xf32>
    %swap3A_12 = arith.constant 0 : index
    %swap3A_13 = arith.constant 0 : index
    %swap3A_14 = arith.constant 0 : index
    %swap3A_15 = memref.load %arg4[%swap3A_12, %swap3A_13, %swap3A_14] : memref<1x1x1xf32, #tpu.memory_space<smem>>
    memref.store %reduce_sum3A_11, %arg4[%swap3A_12, %swap3A_13, %swap3A_14] : memref<1x1x1xf32, #tpu.memory_space<smem>>
    return
  }
  func.func @transform_0(%arg0: i32) -> (i32, i32) {
    %c0_i32 = arith.constant 0 : i32
    %c0_i32_0 = arith.constant 0 : i32
    return %arg0, %c0_i32 : i32, i32
  }
  func.func @transform_1(%arg0: i32) -> (i32, i32) {
    %c0_i32 = arith.constant 0 : i32
    %c0_i32_0 = arith.constant 0 : i32
    return %arg0, %c0_i32 : i32, i32
  }
  func.func @transform_2(%arg0: i32) -> (i32, i32) {
    %c0_i32 = arith.constant 0 : i32
    %c0_i32_0 = arith.constant 0 : i32
    return %arg0, %c0_i32 : i32, i32
  }
  func.func @transform_3(%arg0: i32) -> (i32, i32, i32) {
    %c0_i32 = arith.constant 0 : i32
    %c0_i32_0 = arith.constant 0 : i32
    %c0_i32_1 = arith.constant 0 : i32
    return %arg0, %c0_i32, %c0_i32_0 : i32, i32, i32
  }
}

</mosaic_0001>

<sc_bundles>
// kernel: kernel.5.cloned.1.call-start
scs
__scs_entry_jumppad:
0x0: {  	(pc) =	sbr.rel $0x88, $3  }
0x1: {  	(tag) =	ssettag $0x0;
	lr =	simm.s32 $0x1  }
0x2: {  	[smem:$0x3F9F] =	sst lr;
	_ =	strace $0xD0000000  }
0x3: {  	_ = 	snop  }
0x4: {  	_ = 	snop  }
0x5: {  	_ = 	snop  }
0x6: {  	_ = 	snop  }
0x7: {  	_ = 	snop  }
__scs_overlays_trampoline_lowered:
0x8: {  	[smem:$0x3FAE] =	sst s0  }
0x9: {  	[smem:$0x3FAF] =	sst s1  }
0xa: {  	[smem:$0x3FB0] =	sst s2  }
0xb: {  	[smem:$0x3FB1] =	sst s3  }
0xc: {  	[smem:$0x3FB2] =	sst s4  }
0xd: {  	[smem:$0x3FB3] =	sst s5  }
0xe: {  	[smem:$0x3FB4] =	sst s6  }
0xf: {  	[smem:$0x3FB5] =	sst s7  }
0x10: {  	[smem:$0x3FB6] =	sst s8  }
0x11: {  	[smem:$0x3FB7] =	sst s9;
	s0 =	simm.s32 @!p0 $0x0  }
0x12: {  	s1 =	sld [smem:$0x3F9D];
	s0 =	simm.s32 @p0 $0x1  }
0x13: {  	[smem:$0x3FB8] =	sst s0;
	s0 =	simm.s32 @!p1 $0x0  }
0x14: {  	s2 =	sld [smem:$0x3F9C];
	s0 =	simm.s32 @p1 $0x1  }
0x15: {  	[smem:$0x3FB9] =	sst s0;
	s0 =	simm.s32 @!p2 $0x0  }
0x16: {  	s3 =	sld [smem:$0x3FDB];
	s0 =	simm.s32 @p2 $0x1  }
0x17: {  	s4 =	simm.s32 $0x1BF5;
	[smem:$0x3FBB] =	sst s0  }
0x18: {  	s0 =	sld [smem:$0x3F9E];
	_ =	swait.ge [sflag:s4], $0x0  }
0x19: {  	s7 =	sld [smem:$0x3F9F]  }
0x1a: {  	s8 =	sadd.s32 $0xFFFFE003, lr  }
0x1b: {  	s9 =	sadd.s32 $0xFFFFFEF7, lr;
	s5 =	simm.s32 $0xFFFFFFFF;
	p2 =	slt.u32 s8, $0xFFFFF086  }
0x1c: {  	p1 =	slt.u32 s9, $0xF7A;
	s5 =	simm.s32 @!p2 $0x0  }
0x1d: {  	s5 =	simm.s32 @p1 $0x1;
	p0 =	seq.s32 s7, s2  }
0x1e: {  	s7 =	smul.u32 @!p0 $0xF7A, s2;
	p2 =	seq.s32 @!p0 s5, $0x0  }
0x1f: {  	s9 =	smul.u32 $0xF7A, s1;
	s8 =	simm.s32 @!p0 $0x1BF5;
	p2 =	por !p2, p0  }
0x20: {  	[sflag:s8] =	ssyncset.s32 @!p0 $0xFFFFF086;
	s6 =	sadd.s32 @!p0 s3, s7;
	s7 =	simm.s32 @!p0 $0x108  }
0x21: {  	s3 =	sadd.s32 s3, s9;
	s6 =	sadd.s32 @!p0 $0x88, s6;
	s7 =	simm.s32 @p2 $0x1082  }
0x22: {  	[simem:s7], [sflag:s8] =	dma.local @!p0 [hbm:s6], $0xF7A  }
0x23: {  	s9 =	sor.u32 $0xD0000000, s2;
	s6 =	simm.s32 $0x108;
	_ =	swait.ge @!p0 [sflag:s8], $0x0  }
0x24: {  	s3 =	sadd.s32 $0x88, s3;
	s6 =	simm.s32 @!p1 $0x1082;
	[sflag:s4] =	ssyncset.s32 $0xFFFFF086  }
0x25: {  	[simem:s6], [sflag:s4] =	dma.local [hbm:s3], $0xF7A  }
0x26: {  	[smem:$0x3F9F] =	sst s1;
	(tag) =	ssettag s2;
	_ =	strace s9  }
0x27: {  	s1 =	sld [smem:$0x3FAF]  }
0x28: {  	s2 =	sld [smem:$0x3FB0]  }
0x29: {  	s4 =	sld [smem:$0x3FB2]  }
0x2a: {  	p0 =	seq.s32 s5, $0x0;
	s5 =	sld [smem:$0x3FB3]  }
0x2b: {  	s6 =	sld [smem:$0x3FB4]  }
0x2c: {  	s7 =	sld [smem:$0x3FB5]  }
0x2d: {  	s3 =	simm.s32 $0x108;
	s8 =	sld [smem:$0x3FB6]  }
0x2e: {  	s3 =	simm.s32 @!p0 $0x1082;
	s9 =	sld [smem:$0x3FB7]  }
0x2f: {  	lr =	sadd.s32 s0, s3;
	s0 =	sld [smem:$0x3FAE]  }
0x30: {  	s3 =	sld [smem:$0x3FB1]  }
0x31: {  	[smem:$0x3FBA] =	sst s10  }
0x32: {  	s10 =	sld [smem:$0x3FB8];
	_ =	sdelay $0x3  }
0x33: {  	p0 =	seq.s32 s10, $0x1;
	s10 =	sld [smem:$0x3FBA];
	_ =	sdelay $0x3  }
0x34: {  	[smem:$0x3FBA] =	sst s10  }
0x35: {  	s10 =	sld [smem:$0x3FB9];
	_ =	sdelay $0x3  }
0x36: {  	p1 =	seq.s32 s10, $0x1;
	s10 =	sld [smem:$0x3FBA];
	_ =	sdelay $0x3  }
0x37: {  	[smem:$0x3FBA] =	sst s10  }
0x38: {  	s10 =	sld [smem:$0x3FBB]  }
0x39: {  	_ = 	snop;
	(pc) =	sbr.ind lr, $3  }
0x3a: {  	_ = 	snop  }
0x3b: {  	_ = 	snop  }
0x3c: {  	p2 =	seq.s32 s10, $0x1;
	s10 =	sld [smem:$0x3FBA]  }
0x3d: {  	_ =	shalt  }
0x3e: {  	_ =	shalt  }
0x3f: {  	_ =	shalt  }
0x40: {  	_ =	shalt  }
0x41: {  	_ =	shalt  }
0x42: {  	_ =	shalt  }
0x43: {  	_ =	shalt  }
0x44: {  	_ =	shalt  }
0x45: {  	_ =	shalt  }
0x46: {  	_ =	shalt  }
0x47: {  	_ =	shalt  }
0x48: {  	_ =	shalt  }
0x49: {  	_ =	shalt  }
0x4a: {  	_ =	shalt  }
0x4b: {  	_ =	shalt  }
0x4c: {  	_ =	shalt  }
0x4d: {  	_ =	shalt  }
0x4e: {  	_ =	shalt  }
0x4f: {  	_ =	shalt  }
0x50: {  	_ =	shalt  }
0x51: {  	_ =	shalt  }
0x52: {  	_ =	shalt  }
0x53: {  	_ =	shalt  }
0x54: {  	_ =	shalt  }
0x55: {  	_ =	shalt  }
0x56: {  	_ =	shalt  }
0x57: {  	_ =	shalt  }
0x58: {  	_ =	shalt  }
0x59: {  	_ =	shalt  }
0x5a: {  	_ =	shalt  }
0x5b: {  	_ =	shalt  }
0x5c: {  	_ =	shalt  }
0x5d: {  	_ =	shalt  }
0x5e: {  	_ =	shalt  }
0x5f: {  	_ =	shalt  }
0x60: {  	_ =	shalt  }
0x61: {  	_ =	shalt  }
0x62: {  	_ =	shalt  }
0x63: {  	_ =	shalt  }
0x64: {  	_ =	shalt  }
0x65: {  	_ =	shalt  }
0x66: {  	_ =	shalt  }
0x67: {  	_ =	shalt  }
0x68: {  	_ =	shalt  }
0x69: {  	_ =	shalt  }
0x6a: {  	_ =	shalt  }
0x6b: {  	_ =	shalt  }
0x6c: {  	_ =	shalt  }
0x6d: {  	_ =	shalt  }
0x6e: {  	_ =	shalt  }
0x6f: {  	_ =	shalt  }
0x70: {  	_ =	shalt  }
0x71: {  	_ =	shalt  }
0x72: {  	_ =	shalt  }
0x73: {  	_ =	shalt  }
0x74: {  	_ =	shalt  }
0x75: {  	_ =	shalt  }
0x76: {  	_ =	shalt  }
0x77: {  	_ =	shalt  }
0x78: {  	_ =	shalt  }
0x79: {  	_ =	shalt  }
0x7a: {  	_ =	shalt  }
0x7b: {  	_ =	shalt  }
0x7c: {  	_ =	shalt  }
0x7d: {  	_ =	shalt  }
0x7e: {  	_ =	shalt  }
0x7f: {  	_ =	shalt  }
0x80: {  	_ =	shalt  }
0x81: {  	_ =	shalt  }
0x82: {  	_ =	shalt  }
0x83: {  	_ =	shalt  }
0x84: {  	_ =	shalt  }
0x85: {  	_ =	shalt  }
0x86: {  	_ =	shalt  }
0x87: {  	_ =	shalt  }
.Lfunc_end0:
.L_simem_size_0:
called_computation_lowered:
.L_overlay_start_0:
0x88: {  	s2 =	sld [smem:$0x3FD9]  }
0x89: {  	s3 =	sld [smem:$0x3FFE];
	_ =	sdelay $0x1  }
0x8a: {  	s1 =	srdreg.scid  }
0x8b: {  	s0 =	sand.u32 $0x1, s1  }
0x8c: {  	s14 =	sshll.u32 s0, $0xA;
	s2 =	sadd.s32 s3, s2  }
0x8d: {  	s2 =	sadd.s32 s2, s14  }
0x8e: {  	[smem:$0x3FC6] =	sst s2  }
0x8f: {  	_ = 	snop  }
0x90: {  	s2 =	sld [smem:$0x3FD0];
	_ =	sdelay $0x2  }
0x91: {  	s15 =	simm.s32 $0xA;
	s4 =	simm.s32 $0x10  }
0x92: {  	[smem:s4], [sflag:s15] =	dma.local [hbm:s2], $0x1  }
0x93: {  	_ =	swait.eq [sflag:s15], $0x1  }
0x94: {  	[sflag:s15] =	ssyncset.done $0x0  }
0x95: {  	[sflag:s15] =	ssyncadd.s32 $0xFFFFFFFF  }
0x96: {  	s16 =	sld [smem:$0x10];
	(tm) =	ssettm $0x1  }
0x97: {  	s17 =	sld [smem:$0x3FFB];
	_ =	sdelay $0x3  }
0x98: {  	_ =	strace s17  }
0x99: {  	s3 =	sld [smem:$0x3FFC];
	_ =	sdelay $0x3  }
0x9a: {  	_ =	strace s3  }
0x9b: {  	s3 =	sld [smem:$0x3FFD];
	_ =	sdelay $0x3  }
0x9c: {  	_ =	strace s3  }
0x9d: {  	_ =	strace $0x8FFFFFFF  }
0x9e: {  	s18 =	sld [smem:$0x3FDB];
	_ =	sdelay $0x1  }
0x9f: {  	s19 =	simm.s32 $_scs_section_size  }
0xa0: {  	s5 =	simm.s32 $_size__tile_overlayer_lowered;
	s6 =	simm.s32 $_tile_overlayer_lowered  }
0xa1: {  	s22 =	simm.s32 $0x1BFF;
	s21 =	sshll.u32 s6, $0x1;
	s3 =	sadd.s32 s19, s18  }
0xa2: {  	s7 =	simm.s32 $0x0;
	s20 =	sshll.u32 s5, $0x1;
	s5 =	sadd.s32 s21, s3  }
0xa3: {  	[timem:s7], [sflag:s22] =	dma.local [hbm:s5], s20  }
0xa4: {  	_ =	swait.ge [sflag:s22], s20  }
0xa5: {  	s4 =	ssub.s32 $0x0, s20;
	[sflag:s22] =	ssyncset.done $0x0  }
0xa6: {  	[sflag:s22] =	ssyncadd.s32 s4;
	_ =	sdelay $0x1  }
0xa7: {  	s23 =	simm.s32 $0x1B8B  }
0xa8: {  	_ =	swait.ge [sflag:s23], $0x1  }
0xa9: {  	[sflag:s23] =	ssyncset.done $0x0  }
0xaa: {  	s25 =	simm.s32 $0x1B8E;
	s24 =	sld [smem:$0x3FFE];
	[sflag:s23] =	ssyncadd.s32 $0xFFFFFFFF  }
0xab: {  	s26 =	simm.s32 $execute0_lowered;
	[smem:$0x3FD2] =	sst s25  }
0xac: {  	s5 =	sshll.u32 s26, $0x1;
	_ =	strace $0x80000046;
	[dreg:$0x1] =	wrdreg $0xFFFFFFFF  }
0xad: {  	s28 =	simm.s32 $_size_execute0_lowered;
	s3 =	sadd.s32 s3, s5;
	[dreg:$0x0] =	wrdreg $0x0  }
0xae: {  	s5 =	sshll.u32 s28, $0x1;
	[dreg:$0x2] =	wrdreg s3  }
0xaf: {  	[dreg:$0x3] =	wrdreg s5  }
0xb0: {  	[dreg:$0x4] =	wrdreg $0xC0  }
0xb1: {  	_ =	task [dreg:s7], $0x5FFFF  }
0xb2: {  	[dreg:$0x1] =	wrdreg $0xFFFFFFFF  }
0xb3: {  	[dreg:$0x0] =	wrdreg $0x60  }
0xb4: {  	[dreg:$0x2] =	wrdreg s16  }
0xb5: {  	[dreg:$0x3] =	wrdreg s24  }
0xb6: {  	[dreg:$0x4] =	wrdreg $0x9  }
0xb7: {  	_ =	task.clear_ibuf [dreg:s7], $0x5FFFF;
	_ =	strace $0x90000046  }
0xb8: {  	s29 =	simm.s32 $0x9;
	_ =	strace $0x80000048  }
0xb9: {  	_ =	swait.ge [sflag:s29], $0x1  }
0xba: {  	[sflag:s29] =	ssyncadd.s32 $0xFFFFFFFF  }
0xbb: {  	_ =	strace $0x90000048  }
0xbc: {  	_ =	sfence  }
0xbd: {  	s30 =	sld [smem:$0x0];
	_ =	sdelay $0x2  }
0xbe: {  	s31 =	sshll.u32 s1, $0xD;
	s1 =	sshrl.u32 s1, $0x2  }
0xbf: {  	s3 =	sand.u32 $0x4000, s31;
	s1 =	sadd.s32 s1, s30  }
0xc0: {  	s0 =	sor.u32 s3, s0;
	s1 =	sshll.u32 s1, $0x11  }
0xc1: {  	s0 =	sor.u32 s1, s0  }
0xc2: {  	s0 =	sadd.s32 $0x8F2B, s0  }
0xc3: {  	[sflag:s0] =	ssyncadd.remote.s32 $0x1  }
0xc4: {  	_ =	sfence.sel $0xFFFF  }
0xc5: {  	[dreg:$0x0] =	wrdreg $0xFFFFFFFF;
	(pc) =	sbr.abs _section_cstart, $3  }
0xc6: {  	[dreg:$0x1] =	wrdreg $0xFFFFFFFF  }
0xc7: {  	_ =	task.clear_ibuf [dreg:s7], $0x2FFFF;
	_ =	strace $0x9FFFFFFF  }
0xc8: {  	(tm) =	ssettm $0x7FFFFFFF  }
0xc9: {  	_ =	shalt  }
tec
execute0_lowered:
.L_overlay_start_1:
0x0: {  	(tag) =	ssettag $0x1  }
0x1: {  	s1 =	srdreg.scid;
	s0 =	stileid.u32  }
0x2: {  	s2 =	rddreg [dreg:$0x0];
	s9 =	sand.u32 $0x1, s1;
	s30 =	sshll.u32 s0, $0x1  }
0x3: {  	s10 =	rddreg [dreg:$0x1];
	s11 =	sor.u32 s9, s30  }
0x4: {  	s3 =	simm.s32 $0x0;
	s1 =	rddreg [dreg:$0x2];
	s4 =	sshll.u32 s11, $0x5  }
0x5: {  	[smem:$0x7FF] =	sst s3;
	s4 =	sadd.s32 s4, s10  }
0x6: {  	_ =	strace $0x80000047;
	s5 =	sadd.s32 $0x200, s4;
	s4 =	simm.s32 $0x2  }
0x7: {  	[tilespmem:s3], [sflag:$0x2] =	stream.linear.gather [hbm4b:s5+s3], $0x100, $0x38;
	[tilespmem:$0x2100] =	vst v63  }
0x8: {  	_ =	swait.ge [sflag:s4], $0x100  }
0x9: {  	s6 =	simm.s32 $0x80;
	s7 =	simm.s32 $0x100;
	[sflag:s4] =	ssyncset.done $0x0  }
0xa: {  	s8 =	simm.s32 $0x1;
	s12 =	ssub.s32 $0x2, s9;
	[sflag:s4] =	ssyncadd.s32 $0xFFFFFF00  }
0xb: {  	[tilespmem:s7], [sflag:$0x1] =	stream.indirect.gather [hbm4b:s2+s6], $0x20, s3, s6, $0xb8;
	[tilespmem:$0x2100] =	vst v63  }
0xc: {  	s9 =	simm.s32 $0x1100;
	s13 =	sshrl.u32 s12, $0x1;
	_ =	swait.ge [sflag:s8], $0x1000  }
0xd: {  	s11 =	sshll.u32 s11, $0xA;
	s31 =	ssub.s32 s12, s13;
	[sflag:s8] =	ssyncset.done $0x0  }
0xe: {  	s10 =	sadd.s32 s11, s10;
	s11 =	smax.u32 s31, $0x1;
	[sflag:s8] =	ssyncadd.s32 $0xFFFFF000  }
0xf: {  	[tilespmem:s9], [sflag:$0x1] =	stream.indirect.gather [hbm4b:s2+s6], $0x20, s6, s6, $0xb8;
	[tilespmem:$0x2100] =	vst v63  }
0x10: {  	p0 =	sne.s32 s11, $0x1;
	_ =	swait.ge [sflag:s8], $0x1000  }
.Ltmp0:
0x11: {  	[sflag:s8] =	ssyncset.done $0x0;
	(pc) =	sbr.rel @!p0 .LBB2_2-.Ltmp0, $4  }
0x12: {  	s10 =	sadd.s32 $0x600, s10;
	[sflag:s8] =	ssyncadd.s32 $0xFFFFF000  }
0x13: {  	[hbm4b:s10+s3] =	stream.linear.scatter [tilespmem:s7], [sflag:$0x2], $0x2000, $0x38;
	[tilespmem:$0x2100] =	vst v63  }
0x14: {  	_ =	swait.ge [sflag:s4], $0x2000  }
0x15: {  	s11 =	sadd.s32 $0xFFFFFFFF, s11;
	[sflag:s4] =	ssyncset.done $0x0  }
.LBB2_1:
0x16: {  	p0 =	sne.s32 s11, $0x1;
	s11 =	sadd.s32 $0xFFFFFFFF, s11;
	[sflag:s4] =	ssyncadd.s32 $0xFFFFE000  }
0x17: {  	[tilespmem:s3], [sflag:$0x2] =	stream.linear.gather [hbm4b:s5+s3], $0x100, $0x38;
	[tilespmem:$0x2100] =	vst v63  }
0x18: {  	_ =	swait.ge [sflag:s4], $0x100  }
0x19: {  	[sflag:s4] =	ssyncset.done $0x0  }
0x1a: {  	[sflag:s4] =	ssyncadd.s32 $0xFFFFFF00  }
0x1b: {  	[tilespmem:s7], [sflag:$0x1] =	stream.indirect.gather [hbm4b:s2+s6], $0x20, s3, s6, $0xb8;
	[tilespmem:$0x2100] =	vst v63  }
0x1c: {  	_ =	swait.ge [sflag:s8], $0x1000  }
0x1d: {  	[sflag:s8] =	ssyncset.done $0x0  }
0x1e: {  	[sflag:s8] =	ssyncadd.s32 $0xFFFFF000  }
0x1f: {  	[tilespmem:s9], [sflag:$0x1] =	stream.indirect.gather [hbm4b:s2+s6], $0x20, s6, s6, $0xb8;
	[tilespmem:$0x2100] =	vst v63  }
0x20: {  	_ =	swait.ge [sflag:s8], $0x1000  }
.Ltmp1:
0x21: {  	[sflag:s8] =	ssyncset.done $0x0;
	(pc) =	sbr.rel @p0 .LBB2_1-.Ltmp1, $4  }
0x22: {  	[sflag:s8] =	ssyncadd.s32 $0xFFFFF000  }
0x23: {  	[hbm4b:s10+s3] =	stream.linear.scatter [tilespmem:s7], [sflag:$0x2], $0x2000, $0x38;
	[tilespmem:$0x2100] =	vst v63  }
0x24: {  	_ =	swait.ge [sflag:s4], $0x2000  }
0x25: {  	[sflag:s4] =	ssyncset.done $0x0  }
.LBB2_2:
0x26: {  	[sflag:s4] =	ssyncadd.s32 $0xFFFFE000  }
0x27: {  	_ =	sfence.sel $0x180000  }
0x28: {  	[bflag:$0x0] =	sbarrier.arrive $0xFFFF  }
0x29: {  	p0 =	sne.s32 s0, $0x0;
	_ =	strace $0x90000047  }
0x2a: {  	s0 =	sadd.s32 @!p0 $0x100000, s1;
	[bflag:$0x2] =	sbarrier.arrive $0xFFFF  }
0x2b: {  	[sflag:s0] =	ssyncadd.tile.s32 @!p0 $0x1;
	_ =	shalt  }
.Lfunc_end2:
_tile_overlayer_lowered:
.L_overlay_start_2:
0x2c: {  	(tag) =	ssettag $0x2  }
0x2d: {  	s0 =	rddreg [dreg:$0x0];
	s2 =	stileid.u32  }
0x2e: {  	s1 =	rddreg [dreg:$0x1];
	p0 =	sne.s32 s2, $0x0  }
0x2f: {  	s3 =	rddreg [dreg:$0x2];
	[bflag:$0x3] =	sbarrier.arrive $0xFFFF;
	s2 =	simm.s32 @!p0 $0x1C02  }
0x30: {  	[timem:s3], [sflag:s2] =	dma.local @!p0 [hbm:s0], s1  }
0x31: {  	s0 =	simm.s32 @!p0 $0x2  }
0x32: {  	_ =	swait.ge @!p0 [sflag:s0], s1  }
0x33: {  	s1 =	ssub.s32 @!p0 $0x0, s1;
	[sflag:s0] =	ssyncset.done @!p0 $0x0  }
0x34: {  	[sflag:s0] =	ssyncadd.s32 @!p0 s1  }
0x35: {  	[bflag:$0x3] =	sbarrier.arrive $0xFFFF  }
0x36: {  	_ =	shalt  }

</sc_bundles>
